<compile_context>
chip_gen: v7x
topology: tpu7x:2x2x1
jax: 0.10.2.dev20260603
libtpu: 0.0.44.dev20260713+nightly
codegen_flags: <defaults>
</compile_context>

<pallas_src>
import functools

import jax
import jax.numpy as jnp
from jax import lax
from jax.experimental import pallas as pl
from jax.experimental.pallas import tpu as pltpu
from jax.experimental.pallas import tpu_sc as plsc

_N = 7
_M = _N * (_N - 1) // 2


def _body(x_hbm, vec_hbm, out_hbm, x_s, buf_s, res_s):
    pltpu.sync_copy(x_hbm, x_s)
    xs = [x_s[i] for i in range(_N)]
    idx = jnp.int32(0)
    k = 0
    for i in range(1, _N):
        for j in range(i):
            idx = idx + jnp.where(xs[i] == xs[j], jnp.int32(1 << k), jnp.int32(0))
            k += 1
    pltpu.sync_copy(vec_hbm.at[idx >> 7], buf_s)
    res_s[0] = buf_s[idx & jnp.int32(127)]
    pltpu.sync_copy(res_s, out_hbm)


@jax.jit
def kernel(x, vec):
    mesh = plsc.ScalarSubcoreMesh(axis_name="c", num_cores=1)
    run = functools.partial(
        pl.kernel,
        mesh=mesh,
        out_type=jax.ShapeDtypeStruct((8,), jnp.float32),
        scratch_types=[
            pltpu.SMEM((8,), jnp.int32),
            pltpu.SMEM((128,), jnp.float32),
            pltpu.SMEM((8,), jnp.float32),
        ],
        compiler_params=pltpu.CompilerParams(needs_layout_passes=False),
    )(_body)
    xp = jnp.zeros((8,), jnp.int32).at[:_N].set(x.astype(jnp.int32))
    out = run(xp, vec.reshape(2 ** _M // 128, 128))
    return out[0]

# --- scband reference (transcript-rebuilt; emitter-appended) ---
"""Pipeline reference for scband-v-su2-exact-41979010351315 (READ-ONLY COPY).

The authoritative reference and input builder live on the scoring server;
editing this copy changes nothing except your own understanding.
"""

import jax, jax.numpy as jnp
import numpy as np

N = 7
M = N * (N - 1) // 2  # 21

def setup_inputs(seed: int = 0) -> dict:
    key = jax.random.key(seed)
    k1, k2 = jax.random.split(key)
    x = jax.random.randint(k1, (N,), 0, 3)
    vec = jax.random.normal(k2, (2 ** M,), dtype=jnp.float32)
    return {"x": x, "vec": vec}

def reference(x, vec):
    n = x.shape[0]
    y = jax.vmap(lambda x_i: x_i == x)(x)
    y = jnp.concatenate([y[i, :i] for i in range(n)])
    y = y.ravel()
    m = y.shape[0]
    idx = jnp.dot(y.astype(jnp.int32), 2 ** jnp.arange(m, dtype=jnp.int32))
    return vec[idx]

if __name__ == "__main__":
    import jax
    _d = setup_inputs()
    print(jax.jit(kernel)(*tuple(_d.values())))

</pallas_src>

<mosaic_0001>
#map = affine_map<(d0) -> (0)>
#map1 = affine_map<(d0) -> (0, 0)>
module attributes {stable_mosaic.version = 14 : i64} {
  func.func @_body(%arg0: i32, %arg1: memref<8xi32, #tpu.memory_space<hbm>>, %arg2: memref<16384x128xf32, #tpu.memory_space<hbm>>, %arg3: memref<8xf32, #tpu.memory_space<hbm>>, %arg4: memref<8xi32, #tpu.memory_space<smem>>, %arg5: memref<128xf32, #tpu.memory_space<smem>>, %arg6: memref<8xf32, #tpu.memory_space<smem>>) attributes {dimension_semantics = [#tpu.dimension_semantics<core_parallel>], iteration_bounds = array<i64: 1>, scalar_prefetch = 0 : i64, scratch_operands = 3 : i64, tpu.core_type = #tpu.core_type<sc_scalar_subcore>, window_params = [{transform_indices = #map}, {transform_indices = #map1}, {transform_indices = #map}]} {
    "tpu.region"() ({
      %run_scoped3A = tpu.sem_alloc : memref<!tpu.dma_semaphore, #tpu.memory_space<semaphore_mem>>
      tpu.enqueue_dma source(%arg1 : memref<8xi32, #tpu.memory_space<hbm>>) target(%arg4 : memref<8xi32, #tpu.memory_space<smem>>) target_semaphore(%run_scoped3A : memref<!tpu.dma_semaphore, #tpu.memory_space<semaphore_mem>>)
      tpu.wait_dma2 semaphore(%run_scoped3A : memref<!tpu.dma_semaphore, #tpu.memory_space<semaphore_mem>>) src(%arg1 : memref<8xi32, #tpu.memory_space<hbm>>) dst(%arg4 : memref<8xi32, #tpu.memory_space<smem>>)
      tpu.yield
    }) : () -> ()
    %get3A = arith.constant 0 : i32
    %get3A_0 = arith.index_cast %get3A : i32 to index
    %get3A_1 = memref.load %arg4[%get3A_0] : memref<8xi32, #tpu.memory_space<smem>>
    %get3A_2 = arith.constant 1 : i32
    %get3A_3 = arith.index_cast %get3A_2 : i32 to index
    %get3A_4 = memref.load %arg4[%get3A_3] : memref<8xi32, #tpu.memory_space<smem>>
    %get3A_5 = arith.constant 2 : i32
    %get3A_6 = arith.index_cast %get3A_5 : i32 to index
    %get3A_7 = memref.load %arg4[%get3A_6] : memref<8xi32, #tpu.memory_space<smem>>
    %get3A_8 = arith.constant 3 : i32
    %get3A_9 = arith.index_cast %get3A_8 : i32 to index
    %get3A_10 = memref.load %arg4[%get3A_9] : memref<8xi32, #tpu.memory_space<smem>>
    %get3A_11 = arith.constant 4 : i32
    %get3A_12 = arith.index_cast %get3A_11 : i32 to index
    %get3A_13 = memref.load %arg4[%get3A_12] : memref<8xi32, #tpu.memory_space<smem>>
    %get3A_14 = arith.constant 5 : i32
    %get3A_15 = arith.index_cast %get3A_14 : i32 to index
    %get3A_16 = memref.load %arg4[%get3A_15] : memref<8xi32, #tpu.memory_space<smem>>
    %get3A_17 = arith.constant 6 : i32
    %get3A_18 = arith.index_cast %get3A_17 : i32 to index
    %get3A_19 = memref.load %arg4[%get3A_18] : memref<8xi32, #tpu.memory_space<smem>>
    %eq3A = arith.cmpi eq, %get3A_4, %get3A_1 : i32
    %jit3A = arith.constant 1 : i32
    %jit3A_20 = arith.constant 0 : i32
    %select_n3A = arith.select %eq3A, %jit3A, %jit3A_20 : i32
    %add3A = arith.constant 0 : i32
    %add3A_21 = arith.addi %add3A, %select_n3A : i32
    %eq3A_22 = arith.cmpi eq, %get3A_7, %get3A_1 : i32
    %jit3A_23 = arith.constant 2 : i32
    %jit3A_24 = arith.constant 0 : i32
    %select_n3A_25 = arith.select %eq3A_22, %jit3A_23, %jit3A_24 : i32
    %add3A_26 = arith.addi %add3A_21, %select_n3A_25 : i32
    %eq3A_27 = arith.cmpi eq, %get3A_7, %get3A_4 : i32
    %jit3A_28 = arith.constant 4 : i32
    %jit3A_29 = arith.constant 0 : i32
    %select_n3A_30 = arith.select %eq3A_27, %jit3A_28, %jit3A_29 : i32
    %add3A_31 = arith.addi %add3A_26, %select_n3A_30 : i32
    %eq3A_32 = arith.cmpi eq, %get3A_10, %get3A_1 : i32
    %jit3A_33 = arith.constant 8 : i32
    %jit3A_34 = arith.constant 0 : i32
    %select_n3A_35 = arith.select %eq3A_32, %jit3A_33, %jit3A_34 : i32
    %add3A_36 = arith.addi %add3A_31, %select_n3A_35 : i32
    %eq3A_37 = arith.cmpi eq, %get3A_10, %get3A_4 : i32
    %jit3A_38 = arith.constant 16 : i32
    %jit3A_39 = arith.constant 0 : i32
    %select_n3A_40 = arith.select %eq3A_37, %jit3A_38, %jit3A_39 : i32
    %add3A_41 = arith.addi %add3A_36, %select_n3A_40 : i32
    %eq3A_42 = arith.cmpi eq, %get3A_10, %get3A_7 : i32
    %jit3A_43 = arith.constant 32 : i32
    %jit3A_44 = arith.constant 0 : i32
    %select_n3A_45 = arith.select %eq3A_42, %jit3A_43, %jit3A_44 : i32
    %add3A_46 = arith.addi %add3A_41, %select_n3A_45 : i32
    %eq3A_47 = arith.cmpi eq, %get3A_13, %get3A_1 : i32
    %jit3A_48 = arith.constant 64 : i32
    %jit3A_49 = arith.constant 0 : i32
    %select_n3A_50 = arith.select %eq3A_47, %jit3A_48, %jit3A_49 : i32
    %add3A_51 = arith.addi %add3A_46, %select_n3A_50 : i32
    %eq3A_52 = arith.cmpi eq, %get3A_13, %get3A_4 : i32
    %jit3A_53 = arith.constant 128 : i32
    %jit3A_54 = arith.constant 0 : i32
    %select_n3A_55 = arith.select %eq3A_52, %jit3A_53, %jit3A_54 : i32
    %add3A_56 = arith.addi %add3A_51, %select_n3A_55 : i32
    %eq3A_57 = arith.cmpi eq, %get3A_13, %get3A_7 : i32
    %jit3A_58 = arith.constant 256 : i32
    %jit3A_59 = arith.constant 0 : i32
    %select_n3A_60 = arith.select %eq3A_57, %jit3A_58, %jit3A_59 : i32
    %add3A_61 = arith.addi %add3A_56, %select_n3A_60 : i32
    %eq3A_62 = arith.cmpi eq, %get3A_13, %get3A_10 : i32
    %jit3A_63 = arith.constant 512 : i32
    %jit3A_64 = arith.constant 0 : i32
    %select_n3A_65 = arith.select %eq3A_62, %jit3A_63, %jit3A_64 : i32
    %add3A_66 = arith.addi %add3A_61, %select_n3A_65 : i32
    %eq3A_67 = arith.cmpi eq, %get3A_16, %get3A_1 : i32
    %jit3A_68 = arith.constant 1024 : i32
    %jit3A_69 = arith.constant 0 : i32
    %select_n3A_70 = arith.select %eq3A_67, %jit3A_68, %jit3A_69 : i32
    %add3A_71 = arith.addi %add3A_66, %select_n3A_70 : i32
    %eq3A_72 = arith.cmpi eq, %get3A_16, %get3A_4 : i32
    %jit3A_73 = arith.constant 2048 : i32
    %jit3A_74 = arith.constant 0 : i32
    %select_n3A_75 = arith.select %eq3A_72, %jit3A_73, %jit3A_74 : i32
    %add3A_76 = arith.addi %add3A_71, %select_n3A_75 : i32
    %eq3A_77 = arith.cmpi eq, %get3A_16, %get3A_7 : i32
    %jit3A_78 = arith.constant 4096 : i32
    %jit3A_79 = arith.constant 0 : i32
    %select_n3A_80 = arith.select %eq3A_77, %jit3A_78, %jit3A_79 : i32
    %add3A_81 = arith.addi %add3A_76, %select_n3A_80 : i32
    %eq3A_82 = arith.cmpi eq, %get3A_16, %get3A_10 : i32
    %jit3A_83 = arith.constant 8192 : i32
    %jit3A_84 = arith.constant 0 : i32
    %select_n3A_85 = arith.select %eq3A_82, %jit3A_83, %jit3A_84 : i32
    %add3A_86 = arith.addi %add3A_81, %select_n3A_85 : i32
    %eq3A_87 = arith.cmpi eq, %get3A_16, %get3A_13 : i32
    %jit3A_88 = arith.constant 16384 : i32
    %jit3A_89 = arith.constant 0 : i32
    %select_n3A_90 = arith.select %eq3A_87, %jit3A_88, %jit3A_89 : i32
    %add3A_91 = arith.addi %add3A_86, %select_n3A_90 : i32
    %eq3A_92 = arith.cmpi eq, %get3A_19, %get3A_1 : i32
    %jit3A_93 = arith.constant 32768 : i32
    %jit3A_94 = arith.constant 0 : i32
    %select_n3A_95 = arith.select %eq3A_92, %jit3A_93, %jit3A_94 : i32
    %add3A_96 = arith.addi %add3A_91, %select_n3A_95 : i32
    %eq3A_97 = arith.cmpi eq, %get3A_19, %get3A_4 : i32
    %jit3A_98 = arith.constant 65536 : i32
    %jit3A_99 = arith.constant 0 : i32
    %select_n3A_100 = arith.select %eq3A_97, %jit3A_98, %jit3A_99 : i32
    %add3A_101 = arith.addi %add3A_96, %select_n3A_100 : i32
    %eq3A_102 = arith.cmpi eq, %get3A_19, %get3A_7 : i32
    %jit3A_103 = arith.constant 131072 : i32
    %jit3A_104 = arith.constant 0 : i32
    %select_n3A_105 = arith.select %eq3A_102, %jit3A_103, %jit3A_104 : i32
    %add3A_106 = arith.addi %add3A_101, %select_n3A_105 : i32
    %eq3A_107 = arith.cmpi eq, %get3A_19, %get3A_10 : i32
    %jit3A_108 = arith.constant 262144 : i32
    %jit3A_109 = arith.constant 0 : i32
    %select_n3A_110 = arith.select %eq3A_107, %jit3A_108, %jit3A_109 : i32
    %add3A_111 = arith.addi %add3A_106, %select_n3A_110 : i32
    %eq3A_112 = arith.cmpi eq, %get3A_19, %get3A_13 : i32
    %jit3A_113 = arith.constant 524288 : i32
    %jit3A_114 = arith.constant 0 : i32
    %select_n3A_115 = arith.select %eq3A_112, %jit3A_113, %jit3A_114 : i32
    %add3A_116 = arith.addi %add3A_111, %select_n3A_115 : i32
    %eq3A_117 = arith.cmpi eq, %get3A_19, %get3A_16 : i32
    %jit3A_118 = arith.constant 1048576 : i32
    %jit3A_119 = arith.constant 0 : i32
    %select_n3A_120 = arith.select %eq3A_117, %jit3A_118, %jit3A_119 : i32
    %add3A_121 = arith.addi %add3A_116, %select_n3A_120 : i32
    %shift_right_arithmetic3A = arith.constant 7 : i32
    %shift_right_arithmetic3A_122 = arith.shrsi %add3A_121, %shift_right_arithmetic3A : i32
    "tpu.region"() ({
      %run_scoped3A = tpu.sem_alloc : memref<!tpu.dma_semaphore, #tpu.memory_space<semaphore_mem>>
      %dma_start3A = arith.constant 0 : i32
      %dma_start3A_128 = tpu.memref_slice %arg2[%shift_right_arithmetic3A_122, %dma_start3A] : memref<16384x128xf32, #tpu.memory_space<hbm>> -> memref<1x128xf32, #tpu.memory_space<hbm>>
      %dma_start3A_129 = tpu.memref_squeeze %dma_start3A_128 : memref<1x128xf32, #tpu.memory_space<hbm>> -> memref<128xf32, #tpu.memory_space<hbm>>
      tpu.enqueue_dma source(%dma_start3A_129 : memref<128xf32, #tpu.memory_space<hbm>>) target(%arg5 : memref<128xf32, #tpu.memory_space<smem>>) target_semaphore(%run_scoped3A : memref<!tpu.dma_semaphore, #tpu.memory_space<semaphore_mem>>)
      %dma_wait3A = arith.constant 0 : i32
      %dma_wait3A_130 = tpu.memref_slice %arg2[%shift_right_arithmetic3A_122, %dma_wait3A] : memref<16384x128xf32, #tpu.memory_space<hbm>> -> memref<1x128xf32, #tpu.memory_space<hbm>>
      %dma_wait3A_131 = tpu.memref_squeeze %dma_wait3A_130 : memref<1x128xf32, #tpu.memory_space<hbm>> -> memref<128xf32, #tpu.memory_space<hbm>>
      tpu.wait_dma2 semaphore(%run_scoped3A : memref<!tpu.dma_semaphore, #tpu.memory_space<semaphore_mem>>) src(%dma_wait3A_131 : memref<128xf32, #tpu.memory_space<hbm>>) dst(%arg5 : memref<128xf32, #tpu.memory_space<smem>>)
      tpu.yield
    }) : () -> ()
    %and3A = arith.constant 127 : i32
    %and3A_123 = arith.andi %add3A_121, %and3A : i32
    %get3A_124 = arith.index_cast %and3A_123 : i32 to index
    %get3A_125 = memref.load %arg5[%get3A_124] : memref<128xf32, #tpu.memory_space<smem>>
    %swap3A = arith.constant 0 : i32
    %swap3A_126 = arith.index_cast %swap3A : i32 to index
    %swap3A_127 = memref.load %arg6[%swap3A_126] : memref<8xf32, #tpu.memory_space<smem>>
    memref.store %get3A_125, %arg6[%swap3A_126] : memref<8xf32, #tpu.memory_space<smem>>
    "tpu.region"() ({
      %run_scoped3A = tpu.sem_alloc : memref<!tpu.dma_semaphore, #tpu.memory_space<semaphore_mem>>
      tpu.enqueue_dma source(%arg6 : memref<8xf32, #tpu.memory_space<smem>>) target(%arg3 : memref<8xf32, #tpu.memory_space<hbm>>) target_semaphore(%run_scoped3A : memref<!tpu.dma_semaphore, #tpu.memory_space<semaphore_mem>>)
      tpu.wait_dma2 semaphore(%run_scoped3A : memref<!tpu.dma_semaphore, #tpu.memory_space<semaphore_mem>>) src(%arg6 : memref<8xf32, #tpu.memory_space<smem>>) dst(%arg3 : memref<8xf32, #tpu.memory_space<hbm>>)
      tpu.yield
    }) : () -> ()
    return
  }
}

</mosaic_0001>

<sc_bundles>
// kernel: kernel.3.cloned.1.call-start
scs
__scs_entry_jumppad:
0x0: {  	(pc) =	sbr.rel $0x88, $3  }
0x1: {  	(tag) =	ssettag $0x0;
	lr =	simm.s32 $0x1  }
0x2: {  	[smem:$0x3F9F] =	sst lr;
	_ =	strace $0xD0000000  }
0x3: {  	_ = 	snop  }
0x4: {  	_ = 	snop  }
0x5: {  	_ = 	snop  }
0x6: {  	_ = 	snop  }
0x7: {  	_ = 	snop  }
__scs_overlays_trampoline_lowered:
0x8: {  	[smem:$0x3FAE] =	sst s0  }
0x9: {  	[smem:$0x3FAF] =	sst s1  }
0xa: {  	[smem:$0x3FB0] =	sst s2  }
0xb: {  	[smem:$0x3FB1] =	sst s3  }
0xc: {  	[smem:$0x3FB2] =	sst s4  }
0xd: {  	[smem:$0x3FB3] =	sst s5  }
0xe: {  	[smem:$0x3FB4] =	sst s6  }
0xf: {  	[smem:$0x3FB5] =	sst s7  }
0x10: {  	[smem:$0x3FB6] =	sst s8  }
0x11: {  	[smem:$0x3FB7] =	sst s9;
	s0 =	simm.s32 @!p0 $0x0  }
0x12: {  	s1 =	sld [smem:$0x3F9D];
	s0 =	simm.s32 @p0 $0x1  }
0x13: {  	[smem:$0x3FB8] =	sst s0;
	s0 =	simm.s32 @!p1 $0x0  }
0x14: {  	s2 =	sld [smem:$0x3F9C];
	s0 =	simm.s32 @p1 $0x1  }
0x15: {  	[smem:$0x3FB9] =	sst s0;
	s0 =	simm.s32 @!p2 $0x0  }
0x16: {  	s3 =	sld [smem:$0x3FDB];
	s0 =	simm.s32 @p2 $0x1  }
0x17: {  	s4 =	simm.s32 $0x1BF5;
	[smem:$0x3FBB] =	sst s0  }
0x18: {  	s0 =	sld [smem:$0x3F9E];
	_ =	swait.ge [sflag:s4], $0x0  }
0x19: {  	s7 =	sld [smem:$0x3F9F]  }
0x1a: {  	s8 =	sadd.s32 $0xFFFFE003, lr  }
0x1b: {  	s9 =	sadd.s32 $0xFFFFFEF7, lr;
	s5 =	simm.s32 $0xFFFFFFFF;
	p2 =	slt.u32 s8, $0xFFFFF086  }
0x1c: {  	p1 =	slt.u32 s9, $0xF7A;
	s5 =	simm.s32 @!p2 $0x0  }
0x1d: {  	s5 =	simm.s32 @p1 $0x1;
	p0 =	seq.s32 s7, s2  }
0x1e: {  	s7 =	smul.u32 @!p0 $0xF7A, s2;
	p2 =	seq.s32 @!p0 s5, $0x0  }
0x1f: {  	s9 =	smul.u32 $0xF7A, s1;
	s8 =	simm.s32 @!p0 $0x1BF5;
	p2 =	por !p2, p0  }
0x20: {  	[sflag:s8] =	ssyncset.s32 @!p0 $0xFFFFF086;
	s6 =	sadd.s32 @!p0 s3, s7;
	s7 =	simm.s32 @!p0 $0x108  }
0x21: {  	s3 =	sadd.s32 s3, s9;
	s6 =	sadd.s32 @!p0 $0x88, s6;
	s7 =	simm.s32 @p2 $0x1082  }
0x22: {  	[simem:s7], [sflag:s8] =	dma.local @!p0 [hbm:s6], $0xF7A  }
0x23: {  	s9 =	sor.u32 $0xD0000000, s2;
	s6 =	simm.s32 $0x108;
	_ =	swait.ge @!p0 [sflag:s8], $0x0  }
0x24: {  	s3 =	sadd.s32 $0x88, s3;
	s6 =	simm.s32 @!p1 $0x1082;
	[sflag:s4] =	ssyncset.s32 $0xFFFFF086  }
0x25: {  	[simem:s6], [sflag:s4] =	dma.local [hbm:s3], $0xF7A  }
0x26: {  	[smem:$0x3F9F] =	sst s1;
	(tag) =	ssettag s2;
	_ =	strace s9  }
0x27: {  	s1 =	sld [smem:$0x3FAF]  }
0x28: {  	s2 =	sld [smem:$0x3FB0]  }
0x29: {  	s4 =	sld [smem:$0x3FB2]  }
0x2a: {  	p0 =	seq.s32 s5, $0x0;
	s5 =	sld [smem:$0x3FB3]  }
0x2b: {  	s6 =	sld [smem:$0x3FB4]  }
0x2c: {  	s7 =	sld [smem:$0x3FB5]  }
0x2d: {  	s3 =	simm.s32 $0x108;
	s8 =	sld [smem:$0x3FB6]  }
0x2e: {  	s3 =	simm.s32 @!p0 $0x1082;
	s9 =	sld [smem:$0x3FB7]  }
0x2f: {  	lr =	sadd.s32 s0, s3;
	s0 =	sld [smem:$0x3FAE]  }
0x30: {  	s3 =	sld [smem:$0x3FB1]  }
0x31: {  	[smem:$0x3FBA] =	sst s10  }
0x32: {  	s10 =	sld [smem:$0x3FB8];
	_ =	sdelay $0x3  }
0x33: {  	p0 =	seq.s32 s10, $0x1;
	s10 =	sld [smem:$0x3FBA];
	_ =	sdelay $0x3  }
0x34: {  	[smem:$0x3FBA] =	sst s10  }
0x35: {  	s10 =	sld [smem:$0x3FB9];
	_ =	sdelay $0x3  }
0x36: {  	p1 =	seq.s32 s10, $0x1;
	s10 =	sld [smem:$0x3FBA];
	_ =	sdelay $0x3  }
0x37: {  	[smem:$0x3FBA] =	sst s10  }
0x38: {  	s10 =	sld [smem:$0x3FBB]  }
0x39: {  	_ = 	snop;
	(pc) =	sbr.ind lr, $3  }
0x3a: {  	_ = 	snop  }
0x3b: {  	_ = 	snop  }
0x3c: {  	p2 =	seq.s32 s10, $0x1;
	s10 =	sld [smem:$0x3FBA]  }
0x3d: {  	_ =	shalt  }
0x3e: {  	_ =	shalt  }
0x3f: {  	_ =	shalt  }
0x40: {  	_ =	shalt  }
0x41: {  	_ =	shalt  }
0x42: {  	_ =	shalt  }
0x43: {  	_ =	shalt  }
0x44: {  	_ =	shalt  }
0x45: {  	_ =	shalt  }
0x46: {  	_ =	shalt  }
0x47: {  	_ =	shalt  }
0x48: {  	_ =	shalt  }
0x49: {  	_ =	shalt  }
0x4a: {  	_ =	shalt  }
0x4b: {  	_ =	shalt  }
0x4c: {  	_ =	shalt  }
0x4d: {  	_ =	shalt  }
0x4e: {  	_ =	shalt  }
0x4f: {  	_ =	shalt  }
0x50: {  	_ =	shalt  }
0x51: {  	_ =	shalt  }
0x52: {  	_ =	shalt  }
0x53: {  	_ =	shalt  }
0x54: {  	_ =	shalt  }
0x55: {  	_ =	shalt  }
0x56: {  	_ =	shalt  }
0x57: {  	_ =	shalt  }
0x58: {  	_ =	shalt  }
0x59: {  	_ =	shalt  }
0x5a: {  	_ =	shalt  }
0x5b: {  	_ =	shalt  }
0x5c: {  	_ =	shalt  }
0x5d: {  	_ =	shalt  }
0x5e: {  	_ =	shalt  }
0x5f: {  	_ =	shalt  }
0x60: {  	_ =	shalt  }
0x61: {  	_ =	shalt  }
0x62: {  	_ =	shalt  }
0x63: {  	_ =	shalt  }
0x64: {  	_ =	shalt  }
0x65: {  	_ =	shalt  }
0x66: {  	_ =	shalt  }
0x67: {  	_ =	shalt  }
0x68: {  	_ =	shalt  }
0x69: {  	_ =	shalt  }
0x6a: {  	_ =	shalt  }
0x6b: {  	_ =	shalt  }
0x6c: {  	_ =	shalt  }
0x6d: {  	_ =	shalt  }
0x6e: {  	_ =	shalt  }
0x6f: {  	_ =	shalt  }
0x70: {  	_ =	shalt  }
0x71: {  	_ =	shalt  }
0x72: {  	_ =	shalt  }
0x73: {  	_ =	shalt  }
0x74: {  	_ =	shalt  }
0x75: {  	_ =	shalt  }
0x76: {  	_ =	shalt  }
0x77: {  	_ =	shalt  }
0x78: {  	_ =	shalt  }
0x79: {  	_ =	shalt  }
0x7a: {  	_ =	shalt  }
0x7b: {  	_ =	shalt  }
0x7c: {  	_ =	shalt  }
0x7d: {  	_ =	shalt  }
0x7e: {  	_ =	shalt  }
0x7f: {  	_ =	shalt  }
0x80: {  	_ =	shalt  }
0x81: {  	_ =	shalt  }
0x82: {  	_ =	shalt  }
0x83: {  	_ =	shalt  }
0x84: {  	_ =	shalt  }
0x85: {  	_ =	shalt  }
0x86: {  	_ =	shalt  }
0x87: {  	_ =	shalt  }
.Lfunc_end0:
.L_simem_size_0:
called_computation_lowered:
.L_overlay_start_0:
0x88: {  	s0 =	sld [smem:$0x3FD9]  }
0x89: {  	s1 =	sld [smem:$0x3FFE];
	_ =	sdelay $0x3  }
0x8a: {  	s0 =	sadd.s32 s1, s0  }
0x8b: {  	s2 =	simm.s32 $0x0;
	[smem:$0x3FC6] =	sst s0  }
0x8c: {  	[smem:$0xF] =	sst s2  }
0x8d: {  	s31 =	sld [smem:$0x3FC8]  }
0x8e: {  	s0 =	sld [smem:$0x3FD0];
	(tm) =	ssettm $0x1  }
0x8f: {  	s15 =	sld [smem:$0x3FFB];
	_ =	sdelay $0x3  }
0x90: {  	_ =	strace s15  }
0x91: {  	s2 =	sld [smem:$0x3FFC];
	_ =	sdelay $0x3  }
0x92: {  	_ =	strace s2  }
0x93: {  	s2 =	sld [smem:$0x3FFD];
	_ =	sdelay $0x3  }
0x94: {  	_ =	strace s2  }
0x95: {  	s16 =	simm.s32 $0x1B8B;
	_ =	strace $0x8FFFFFFF  }
0x96: {  	_ =	swait.ge [sflag:s16], $0x1  }
0x97: {  	s3 =	sld [smem:$0x3FFE]  }
0x98: {  	[sflag:s16] =	ssyncset.done $0x0  }
0x99: {  	s17 =	simm.s32 $0x1B8E;
	[sflag:s16] =	ssyncadd.s32 $0xFFFFFFFF  }
0x9a: {  	s18 =	simm.s32 $0x9;
	[smem:$0x3FD2] =	sst s17  }
0x9b: {  	s7 =	simm.s32 $0x10;
	_ =	strace $0x80000046;
	s3 =	sadd.s32 $0x400, s3  }
0x9c: {  	[smem:s7], [sflag:s18] =	dma.local [hbm:s3], $0x10  }
0x9d: {  	_ =	swait.ge [sflag:s18], $0x10  }
0x9e: {  	[sflag:s18] =	ssyncset.done $0x0  }
0x9f: {  	[sflag:s18] =	ssyncadd.s32 $0xFFFFFFF0  }
0xa0: {  	s6 =	sld [smem:$0x12]  }
0xa1: {  	s19 =	sld [smem:$0x10]  }
0xa2: {  	s5 =	sld [smem:$0x11]  }
0xa3: {  	s8 =	sld [smem:$0x13]  }
0xa4: {  	s9 =	sld [smem:$0x15]  }
0xa5: {  	s10 =	simm.s32 $0x2;
	s12 =	simm.s32 $0x1;
	s11 =	sld [smem:$0x14]  }
0xa6: {  	s13 =	simm.s32 $0x4;
	s14 =	simm.s32 $0x20;
	s15 =	simm.s32 $0x8  }
0xa7: {  	s16 =	simm.s32 $0x40;
	s17 =	simm.s32 $0x800;
	s4 =	sld [smem:$0x16]  }
0xa8: {  	p0 =	seq.s32 s6, s19;
	p1 =	seq.s32 s6, s5;
	p2 =	seq.s32 s8, s6  }
0xa9: {  	p3 =	seq.s32 s9, s11;
	s10 =	simm.s32 @!p0 $0x0;
	p0 =	seq.s32 s5, s19  }
0xaa: {  	s13 =	simm.s32 @!p1 $0x0;
	p1 =	seq.s32 s8, s5;
	s14 =	simm.s32 @!p2 $0x0  }
0xab: {  	p2 =	seq.s32 s9, s8;
	s12 =	simm.s32 @!p0 $0x0;
	p0 =	seq.s32 s8, s19  }
0xac: {  	s7 =	simm.s32 @!p1 $0x0;
	p1 =	seq.s32 s11, s19;
	s13 =	sor.u32 s14, s13  }
0xad: {  	s14 =	simm.s32 $0x400;
	s15 =	simm.s32 @!p0 $0x0;
	s16 =	simm.s32 @!p1 $0x0  }
0xae: {  	s7 =	sor.u32 s7, s13;
	p0 =	seq.s32 s11, s5;
	p1 =	seq.s32 s11, s8  }
0xaf: {  	s13 =	simm.s32 $0x200;
	s7 =	sor.u32 s12, s7;
	s12 =	simm.s32 $0x80  }
0xb0: {  	s13 =	simm.s32 @!p1 $0x0;
	p1 =	seq.s32 s9, s5;
	s7 =	sor.u32 s10, s7  }
0xb1: {  	s12 =	simm.s32 @!p0 $0x0;
	p0 =	seq.s32 s11, s6;
	s10 =	simm.s32 $0x100  }
0xb2: {  	s17 =	simm.s32 @!p1 $0x0;
	p1 =	seq.s32 s4, s8;
	s8 =	simm.s32 $0x4000  }
0xb3: {  	s10 =	simm.s32 @!p0 $0x0;
	p0 =	seq.s32 s9, s19;
	s7 =	sor.u32 s15, s7  }
0xb4: {  	s15 =	simm.s32 $0x2000;
	s8 =	simm.s32 @!p3 $0x0;
	p3 =	seq.s32 s4, s9  }
0xb5: {  	s14 =	simm.s32 @!p0 $0x0;
	p0 =	seq.s32 s9, s6;
	s9 =	simm.s32 $0x100000  }
0xb6: {  	s9 =	simm.s32 @!p3 $0x0;
	p3 =	seq.s32 s4, s11;
	s11 =	simm.s32 $0x80000  }
0xb7: {  	s15 =	simm.s32 @!p2 $0x0;
	s11 =	simm.s32 @!p3 $0x0;
	s8 =	sor.u32 s9, s8  }
0xb8: {  	s9 =	simm.s32 $0x1000;
	s8 =	sor.u32 s11, s8;
	s11 =	simm.s32 $0x40000  }
0xb9: {  	s9 =	simm.s32 @!p0 $0x0;
	s11 =	simm.s32 @!p1 $0x0;
	s8 =	sor.u32 s15, s8  }
0xba: {  	p0 =	seq.s32 s4, s6;
	s6 =	simm.s32 $0x20000;
	s8 =	sor.u32 s11, s8  }
0xbb: {  	s3 =	simm.s32 $0x8000;
	s6 =	simm.s32 @!p0 $0x0;
	s8 =	sor.u32 s9, s8  }
0xbc: {  	p0 =	seq.s32 s4, s5;
	s5 =	simm.s32 $0x10000;
	s6 =	sor.u32 s6, s8  }
0xbd: {  	s7 =	sor.u32 s16, s7;
	s5 =	simm.s32 @!p0 $0x0;
	s6 =	sadd.s32 s17, s6  }
0xbe: {  	s20 =	sor.u32 s13, s10;
	p0 =	seq.s32 s4, s19;
	s21 =	sadd.s32 s5, s6  }
0xbf: {  	s22 =	sor.u32 s12, s20;
	s3 =	simm.s32 @!p0 $0x0;
	s4 =	sadd.s32 s14, s21  }
0xc0: {  	s5 =	sadd.s32 s7, s22;
	s3 =	sadd.s32 s3, s4  }
0xc1: {  	s3 =	sadd.s32 s5, s3  }
0xc2: {  	s23 =	sand.u32 $0x380, s5;
	s3 =	sand.u32 $0xFFFFFC00, s3  }
0xc3: {  	s3 =	sor.u32 s23, s3  }
0xc4: {  	s3 =	sshrl.u32 s3, $0x3  }
0xc5: {  	s24 =	simm.s32 $0x90;
	s1 =	sadd.s32 s31, s3  }
0xc6: {  	[smem:s24], [sflag:s18] =	dma.local [hbm:s1], $0x10  }
0xc7: {  	_ =	swait.ge [sflag:s18], $0x10  }
0xc8: {  	[sflag:s18] =	ssyncset.done $0x0  }
0xc9: {  	[sflag:s18] =	ssyncadd.s32 $0xFFFFFFF0  }
0xca: {  	s25 =	sld [smem:s7+$0x90];
	_ =	sdelay $0x3  }
0xcb: {  	s26 =	simm.s32 $0x110;
	[smem:$0x110] =	sst s25  }
0xcc: {  	[hbm:s0], [sflag:s18] =	dma.local [smem:s26], $0x10  }
0xcd: {  	_ =	swait.ge [sflag:s18], $0x10  }
0xce: {  	[sflag:s18] =	ssyncset.done $0x0  }
0xcf: {  	[sflag:s18] =	ssyncadd.s32 $0xFFFFFFF0  }
0xd0: {  	_ =	strace $0x90000046  }
0xd1: {  	_ =	sfence  }
0xd2: {  	s28 =	sld [smem:$0x0];
	_ =	sdelay $0x1  }
0xd3: {  	s29 =	srdreg.scid  }
0xd4: {  	s30 =	sshll.u32 s29, $0xD;
	s31 =	sshrl.u32 s29, $0x2  }
0xd5: {  	s2 =	sand.u32 $0x4000, s30;
	s1 =	sand.u32 $0x1, s29;
	s0 =	sadd.s32 s31, s28  }
0xd6: {  	s1 =	sor.u32 s2, s1;
	s0 =	sshll.u32 s0, $0x11  }
0xd7: {  	s0 =	sor.u32 s0, s1  }
0xd8: {  	s0 =	sadd.s32 $0x8F2B, s0;
	(pc) =	sbr.abs _section_cstart, $3  }
0xd9: {  	[sflag:s0] =	ssyncadd.remote.s32 $0x1  }
0xda: {  	_ =	strace $0x9FFFFFFF  }
0xdb: {  	(tm) =	ssettm $0x7FFFFFFF  }

</sc_bundles>
